<compile_context>
chip_gen: v7x
topology: tpu7x:2x2x1
jax: 0.10.2.dev20260603
libtpu: 0.0.44.dev20260713+nightly
codegen_flags: <defaults>
</compile_context>

<pallas_src>
import functools

import jax
import jax.numpy as jnp
from jax import lax
from jax.experimental import pallas as pl
from jax.experimental.pallas import tpu as pltpu
from jax.experimental.pallas import tpu_sc as plsc

F = 26
K = 64
B = 16384
FIELD_SIZE = 100000
NC = 2
NS = 16
NW = NC * NS
BPW = B // NW
IDX_CHUNK = 128
NCHUNK = BPW // IDX_CHUNK

BT = 2048


def _tc_transpose_body(x_ref, xt_ref):
    offs = lax.broadcasted_iota(jnp.int32, (F, BT), 0) * FIELD_SIZE
    xt_ref[...] = x_ref[...].T + offs


_tc_transpose = pl.pallas_call(
    _tc_transpose_body,
    grid=(B // BT,),
    in_specs=[pl.BlockSpec((BT, F), lambda i: (i, 0))],
    out_specs=pl.BlockSpec((F, BT), lambda i: (0, i)),
    out_shape=jax.ShapeDtypeStruct((F, B), jnp.int32),
)


def _lane_shuffle(v, idx):
    return lax.gather(
        v,
        idx[:, None],
        dimension_numbers=lax.GatherDimensionNumbers(
            offset_dims=(), collapsed_slice_dims=(0,), start_index_map=(0,)
        ),
        slice_sizes=(1,),
        mode=lax.GatherScatterMode.PROMISE_IN_BOUNDS,
    )


def _sc_body(xt_hbm, table_hbm, out_hbm, idx_v, acc_v, sem):
    wid = lax.axis_index("s") * NC + lax.axis_index("c")
    base = wid * BPW

    idx_cp = pltpu.async_copy(xt_hbm.at[:, pl.ds(base, BPW)], idx_v, sem)

    zeros = jnp.zeros((16,), jnp.float32)

    def zero_body(i, _):
        acc_v[i // (K // 16), pl.ds((i % (K // 16)) * 16, 16)] = zeros
        return 0

    lax.fori_loop(0, BPW * K // 16, zero_body, 0)
    idx_cp.wait()

    def fire(f, _):
        for c in range(NCHUNK):
            pltpu.async_copy(
                table_hbm.at[idx_v.at[f, pl.ds(c * IDX_CHUNK, IDX_CHUNK)]],
                acc_v.at[pl.ds(c * IDX_CHUNK, IDX_CHUNK)],
                sem,
                add=True,
            )
        return 0

    lax.fori_loop(0, F, fire, 0)

    def drain(i, _):
        pltpu.make_async_copy(
            table_hbm.at[pl.ds(0, IDX_CHUNK)],
            acc_v.at[pl.ds(0, IDX_CHUNK)],
            sem,
        ).wait()
        return 0

    lax.fori_loop(0, F * NCHUNK, drain, 0)

    lanes = lax.iota(jnp.int32, 16)

    def lane_sum(v):
        for sh in (8, 4, 2, 1):
            v = v + _lane_shuffle(v, lanes ^ sh)
        return v

    def softmax_row(r, _):
        e0 = jnp.exp(acc_v[r, pl.ds(0, 16)])
        e1 = jnp.exp(acc_v[r, pl.ds(16, 16)])
        e2 = jnp.exp(acc_v[r, pl.ds(32, 16)])
        e3 = jnp.exp(acc_v[r, pl.ds(48, 16)])
        inv = 1.0 / lane_sum((e0 + e1) + (e2 + e3))
        acc_v[r, pl.ds(0, 16)] = e0 * inv
        acc_v[r, pl.ds(16, 16)] = e1 * inv
        acc_v[r, pl.ds(32, 16)] = e2 * inv
        acc_v[r, pl.ds(48, 16)] = e3 * inv
        return 0

    lax.fori_loop(0, BPW, softmax_row, 0)

    pltpu.sync_copy(acc_v, out_hbm.at[pl.ds(base, BPW)])


_sc_call = functools.partial(
    pl.kernel,
    out_type=jax.ShapeDtypeStruct((B, K), jnp.float32),
    mesh=plsc.VectorSubcoreMesh(core_axis_name="c", subcore_axis_name="s"),
    scratch_types=[
        pltpu.VMEM((F, BPW), jnp.int32),
        pltpu.VMEM((BPW, K), jnp.float32),
        pltpu.SemaphoreType.DMA,
    ],
    compiler_params=pltpu.CompilerParams(use_tc_tiling_on_sc=False),
)(_sc_body)


@jax.jit
def kernel(x, table):
    xt = _tc_transpose(x)
    return _sc_call(xt, table)

# --- scband reference (transcript-rebuilt; emitter-appended) ---
"""Pipeline reference for scband-classifier-62843961475143 (READ-ONLY COPY).

The authoritative reference and input builder live on the scoring server;
editing this copy changes nothing except your own understanding.
"""

import jax, jax.numpy as jnp
import numpy as np

FIELD_DIMS = [100000] * 26
K = 64
BATCH = 16384
TOTAL = sum(FIELD_DIMS)


def setup_inputs(seed: int = 0) -> dict:
    key = jax.random.key(seed)
    k1, k2 = jax.random.split(key)
    x = jax.random.randint(k1, (BATCH, len(FIELD_DIMS)), 0, 100000, dtype=jnp.int32)
    table = jax.random.normal(k2, (TOTAL, K), dtype=jnp.float32) * 0.01
    return {"x": x, "table": table}


def reference(x, table):
    # FeaturesEmbedding: single big embedding table with per-field offsets
    offsets = jnp.asarray(np.concatenate([[0], np.cumsum(FIELD_DIMS)[:-1]]), dtype=x.dtype)
    idx = x + offsets[None, :]            # [B, F]
    emb = jnp.take(table, idx, axis=0)    # [B, F, K] gather
    out = emb.sum(axis=1)                 # [B, K]
    out = jax.nn.softmax(out, axis=1)
    return out

if __name__ == "__main__":
    import jax
    _d = setup_inputs()
    print(jax.jit(kernel)(*tuple(_d.values())))

</pallas_src>

<mosaic_0001>
#map = affine_map<(d0, d1) -> (0, 0)>
module attributes {stable_mosaic.version = 14 : i64} {
  func.func @_sc_body(%arg0: i32, %arg1: i32, %arg2: memref<26x16384xi32, #tpu.memory_space<hbm>>, %arg3: memref<2600000x64xf32, #tpu.memory_space<hbm>>, %arg4: memref<16384x64xf32, #tpu.memory_space<hbm>>, %arg5: memref<26x512xi32, #tpu.memory_space<vmem>>, %arg6: memref<512x64xf32, #tpu.memory_space<vmem>>, %arg7: memref<!tpu.dma_semaphore, #tpu.memory_space<semaphore_mem>>) attributes {dimension_semantics = [#tpu.dimension_semantics<core_parallel>, #tpu.dimension_semantics<subcore_parallel>], iteration_bounds = array<i64: 2, 16>, scalar_prefetch = 0 : i64, scratch_operands = 3 : i64, tpu.core_type = #tpu.core_type<sc_vector_subcore>, window_params = [{transform_indices = #map}, {transform_indices = #map}, {transform_indices = #map}]} {
    %mul3A = arith.constant 2 : i32
    %mul3A_0 = arith.muli %arg1, %mul3A : i32
    %add3A = arith.addi %mul3A_0, %arg0 : i32
    %mul3A_1 = arith.constant 512 : i32
    %mul3A_2 = arith.muli %add3A, %mul3A_1 : i32
    %dma_start3A = arith.constant 0 : i32
    %dma_start3A_3 = tpu.memref_slice %arg2[%dma_start3A, %mul3A_2] : memref<26x16384xi32, #tpu.memory_space<hbm>> -> memref<26x512xi32, #tpu.memory_space<hbm>>
    %dma_start3A_4 = arith.constant 0 : i32
    %dma_start3A_5 = tpu.memref_slice %arg2[%dma_start3A_4, %mul3A_2] : memref<26x16384xi32, #tpu.memory_space<hbm>> -> memref<26x512xi32, #tpu.memory_space<hbm>>
    tpu.enqueue_dma source(%dma_start3A_5 : memref<26x512xi32, #tpu.memory_space<hbm>>) target(%arg5 : memref<26x512xi32, #tpu.memory_space<vmem>>) target_semaphore(%arg7 : memref<!tpu.dma_semaphore, #tpu.memory_space<semaphore_mem>>)
    %broadcast_in_dim3A = arith.constant 0.000000e+00 : f32
    %broadcast_in_dim3A_6 = vector.broadcast %broadcast_in_dim3A : f32 to vector<16xf32>
    %scan3A = arith.constant 0 : i32
    %scan3A_7 = arith.constant 0 : i32
    %scan3A_8 = arith.constant 2048 : i32
    %scan3A_9 = arith.addi %scan3A_7, %scan3A_8 : i32
    %scan3A_10 = arith.constant 1 : i32
    %scan3A_11 = scf.for %scan3A_37 = %scan3A_7 to %scan3A_9 step %scan3A_10 iter_args(%scan3A_38 = %scan3A) -> (i32)  : i32 {
      %jit3A = arith.constant 4 : i32
      %div3A = arith.divsi %scan3A_37, %jit3A : i32
      %sign3A = arith.constant 0 : i32
      %sign3A_39 = arith.cmpi sgt, %scan3A_37, %sign3A : i32
      %sign3A_40 = arith.extui %sign3A_39 : i1 to i32
      %sign3A_41 = arith.constant 0 : i32
      %sign3A_42 = arith.cmpi slt, %scan3A_37, %sign3A_41 : i32
      %sign3A_43 = arith.extui %sign3A_42 : i1 to i32
      %sign3A_44 = arith.subi %sign3A_40, %sign3A_43 : i32
      %sign3A_45 = arith.constant 0 : i32
      %sign3A_46 = arith.cmpi sgt, %jit3A, %sign3A_45 : i32
      %sign3A_47 = arith.extui %sign3A_46 : i1 to i32
      %sign3A_48 = arith.constant 0 : i32
      %sign3A_49 = arith.cmpi slt, %jit3A, %sign3A_48 : i32
      %sign3A_50 = arith.extui %sign3A_49 : i1 to i32
      %sign3A_51 = arith.subi %sign3A_47, %sign3A_50 : i32
      %ne3A = arith.cmpi ne, %sign3A_44, %sign3A_51 : i32
      %rem3A = arith.remsi %scan3A_37, %jit3A : i32
      %ne3A_52 = arith.constant 0 : i32
      %ne3A_53 = arith.cmpi ne, %rem3A, %ne3A_52 : i32
      %and3A = arith.andi %ne3A, %ne3A_53 : i1
      %sub3A = arith.constant 1 : i32
      %sub3A_54 = arith.subi %div3A, %sub3A : i32
      %select_n3A = arith.select %and3A, %sub3A_54, %div3A : i32
      %jit3A_55 = arith.constant 4 : i32
      %eq3A = arith.constant 0 : i32
      %eq3A_56 = arith.cmpi eq, %jit3A_55, %eq3A : i32
      %jit3A_57 = arith.constant 1 : i32
      %select_n3A_58 = arith.select %eq3A_56, %jit3A_57, %jit3A_55 : i32
      %rem3A_59 = arith.remsi %scan3A_37, %select_n3A_58 : i32
      %ne3A_60 = arith.constant 0 : i32
      %ne3A_61 = arith.cmpi ne, %rem3A_59, %ne3A_60 : i32
      %lt3A = arith.constant 0 : i32
      %lt3A_62 = arith.cmpi slt, %rem3A_59, %lt3A : i32
      %lt3A_63 = arith.constant 0 : i32
      %lt3A_64 = arith.cmpi slt, %select_n3A_58, %lt3A_63 : i32
      %ne3A_65 = arith.xori %lt3A_62, %lt3A_64 : i1
      %and3A_66 = arith.andi %ne3A_65, %ne3A_61 : i1
      %add3A_67 = arith.addi %rem3A_59, %select_n3A_58 : i32
      %select_n3A_68 = arith.select %and3A_66, %add3A_67, %rem3A_59 : i32
      %mul3A_69 = arith.constant 16 : i32
      %mul3A_70 = arith.muli %select_n3A_68, %mul3A_69 : i32
      %swap3A = arith.index_cast %select_n3A : i32 to index
      %swap3A_71 = arith.index_cast %mul3A_70 : i32 to index
      %swap3A_72 = tpu.vector_load %arg6[%swap3A, %swap3A_71] {strides = array<i32>} : memref<512x64xf32, #tpu.memory_space<vmem>>, vector<1x16xf32>,
      %swap3A_73 = vector.shape_cast %swap3A_72 : vector<1x16xf32> to vector<16xf32>
      %swap3A_74 = vector.shape_cast %broadcast_in_dim3A_6 : vector<16xf32> to vector<1x16xf32>
      tpu.vector_store %arg6[%swap3A, %swap3A_71], %swap3A_74 {strides = array<i32>} : memref<512x64xf32, #tpu.memory_space<vmem>>, vector<1x16xf32>,
      %scan3A_75 = arith.constant 0 : i32
      scf.yield %scan3A_75 : i32
    }
    %scan3A_12 = arith.constant 2048 : i32
    %dma_wait3A = arith.constant 0 : i32
    %dma_wait3A_13 = tpu.memref_slice %arg2[%dma_wait3A, %mul3A_2] : memref<26x16384xi32, #tpu.memory_space<hbm>> -> memref<26x512xi32, #tpu.memory_space<hbm>>
    %dma_wait3A_14 = arith.constant 0 : i32
    %dma_wait3A_15 = tpu.memref_slice %arg2[%dma_wait3A_14, %mul3A_2] : memref<26x16384xi32, #tpu.memory_space<hbm>> -> memref<26x512xi32, #tpu.memory_space<hbm>>
    tpu.wait_dma2 semaphore(%arg7 : memref<!tpu.dma_semaphore, #tpu.memory_space<semaphore_mem>>) src(%dma_wait3A_15 : memref<26x512xi32, #tpu.memory_space<hbm>>) dst(%arg5 : memref<26x512xi32, #tpu.memory_space<vmem>>)
    %scan3A_16 = arith.constant 0 : i32
    %scan3A_17 = arith.constant 0 : i32
    %scan3A_18 = arith.constant 26 : i32
    %scan3A_19 = arith.addi %scan3A_17, %scan3A_18 : i32
    %scan3A_20 = arith.constant 1 : i32
    %scan3A_21 = scf.for %scan3A_37 = %scan3A_17 to %scan3A_19 step %scan3A_20 iter_args(%scan3A_38 = %scan3A_16) -> (i32)  : i32 {
      %dma_start3A_39 = arith.constant 0 : i32
      %dma_start3A_40 = arith.constant 0 : i32
      %dma_start3A_41 = tpu.memref_slice %arg6[%dma_start3A_39, %dma_start3A_40] : memref<512x64xf32, #tpu.memory_space<vmem>> -> memref<128x64xf32, #tpu.memory_space<vmem>>
      %dma_start3A_42 = arith.constant 0 : i32
      %dma_start3A_43 = tpu.memref_slice %arg5[%scan3A_37, %dma_start3A_42] : memref<26x512xi32, #tpu.memory_space<vmem>> -> memref<1x128xi32, #tpu.memory_space<vmem>>
      %dma_start3A_44 = tpu.memref_squeeze %dma_start3A_43 : memref<1x128xi32, #tpu.memory_space<vmem>> -> memref<128xi32, #tpu.memory_space<vmem>>
      %dma_start3A_45 = arith.constant 0 : i32
      %dma_start3A_46 = arith.constant 0 : i32
      %dma_start3A_47 = tpu.memref_slice %arg3[%dma_start3A_45, %dma_start3A_46] : memref<2600000x64xf32, #tpu.memory_space<hbm>> -> memref<2600000x64xf32, #tpu.memory_space<hbm>>
      tpu.enqueue_indirect_dma source(%dma_start3A_47 : memref<2600000x64xf32, #tpu.memory_space<hbm>>) target(%dma_start3A_41 : memref<128x64xf32, #tpu.memory_space<vmem>>) offsets(%dma_start3A_44 : memref<128xi32, #tpu.memory_space<vmem>>) semaphore(%arg7 : memref<!tpu.dma_semaphore, #tpu.memory_space<semaphore_mem>>) {add = true}
      %dma_start3A_48 = arith.constant 128 : i32
      %dma_start3A_49 = arith.constant 0 : i32
      %dma_start3A_50 = tpu.memref_slice %arg6[%dma_start3A_48, %dma_start3A_49] : memref<512x64xf32, #tpu.memory_space<vmem>> -> memref<128x64xf32, #tpu.memory_space<vmem>>
      %dma_start3A_51 = arith.constant 128 : i32
      %dma_start3A_52 = tpu.memref_slice %arg5[%scan3A_37, %dma_start3A_51] : memref<26x512xi32, #tpu.memory_space<vmem>> -> memref<1x128xi32, #tpu.memory_space<vmem>>
      %dma_start3A_53 = tpu.memref_squeeze %dma_start3A_52 : memref<1x128xi32, #tpu.memory_space<vmem>> -> memref<128xi32, #tpu.memory_space<vmem>>
      %dma_start3A_54 = arith.constant 0 : i32
      %dma_start3A_55 = arith.constant 0 : i32
      %dma_start3A_56 = tpu.memref_slice %arg3[%dma_start3A_54, %dma_start3A_55] : memref<2600000x64xf32, #tpu.memory_space<hbm>> -> memref<2600000x64xf32, #tpu.memory_space<hbm>>
      tpu.enqueue_indirect_dma source(%dma_start3A_56 : memref<2600000x64xf32, #tpu.memory_space<hbm>>) target(%dma_start3A_50 : memref<128x64xf32, #tpu.memory_space<vmem>>) offsets(%dma_start3A_53 : memref<128xi32, #tpu.memory_space<vmem>>) semaphore(%arg7 : memref<!tpu.dma_semaphore, #tpu.memory_space<semaphore_mem>>) {add = true}
      %dma_start3A_57 = arith.constant 256 : i32
      %dma_start3A_58 = arith.constant 0 : i32
      %dma_start3A_59 = tpu.memref_slice %arg6[%dma_start3A_57, %dma_start3A_58] : memref<512x64xf32, #tpu.memory_space<vmem>> -> memref<128x64xf32, #tpu.memory_space<vmem>>
      %dma_start3A_60 = arith.constant 256 : i32
      %dma_start3A_61 = tpu.memref_slice %arg5[%scan3A_37, %dma_start3A_60] : memref<26x512xi32, #tpu.memory_space<vmem>> -> memref<1x128xi32, #tpu.memory_space<vmem>>
      %dma_start3A_62 = tpu.memref_squeeze %dma_start3A_61 : memref<1x128xi32, #tpu.memory_space<vmem>> -> memref<128xi32, #tpu.memory_space<vmem>>
      %dma_start3A_63 = arith.constant 0 : i32
      %dma_start3A_64 = arith.constant 0 : i32
      %dma_start3A_65 = tpu.memref_slice %arg3[%dma_start3A_63, %dma_start3A_64] : memref<2600000x64xf32, #tpu.memory_space<hbm>> -> memref<2600000x64xf32, #tpu.memory_space<hbm>>
      tpu.enqueue_indirect_dma source(%dma_start3A_65 : memref<2600000x64xf32, #tpu.memory_space<hbm>>) target(%dma_start3A_59 : memref<128x64xf32, #tpu.memory_space<vmem>>) offsets(%dma_start3A_62 : memref<128xi32, #tpu.memory_space<vmem>>) semaphore(%arg7 : memref<!tpu.dma_semaphore, #tpu.memory_space<semaphore_mem>>) {add = true}
      %dma_start3A_66 = arith.constant 384 : i32
      %dma_start3A_67 = arith.constant 0 : i32
      %dma_start3A_68 = tpu.memref_slice %arg6[%dma_start3A_66, %dma_start3A_67] : memref<512x64xf32, #tpu.memory_space<vmem>> -> memref<128x64xf32, #tpu.memory_space<vmem>>
      %dma_start3A_69 = arith.constant 384 : i32
      %dma_start3A_70 = tpu.memref_slice %arg5[%scan3A_37, %dma_start3A_69] : memref<26x512xi32, #tpu.memory_space<vmem>> -> memref<1x128xi32, #tpu.memory_space<vmem>>
      %dma_start3A_71 = tpu.memref_squeeze %dma_start3A_70 : memref<1x128xi32, #tpu.memory_space<vmem>> -> memref<128xi32, #tpu.memory_space<vmem>>
      %dma_start3A_72 = arith.constant 0 : i32
      %dma_start3A_73 = arith.constant 0 : i32
      %dma_start3A_74 = tpu.memref_slice %arg3[%dma_start3A_72, %dma_start3A_73] : memref<2600000x64xf32, #tpu.memory_space<hbm>> -> memref<2600000x64xf32, #tpu.memory_space<hbm>>
      tpu.enqueue_indirect_dma source(%dma_start3A_74 : memref<2600000x64xf32, #tpu.memory_space<hbm>>) target(%dma_start3A_68 : memref<128x64xf32, #tpu.memory_space<vmem>>) offsets(%dma_start3A_71 : memref<128xi32, #tpu.memory_space<vmem>>) semaphore(%arg7 : memref<!tpu.dma_semaphore, #tpu.memory_space<semaphore_mem>>) {add = true}
      %scan3A_75 = arith.constant 0 : i32
      scf.yield %scan3A_75 : i32
    }
    %scan3A_22 = arith.constant 26 : i32
    %scan3A_23 = arith.constant 0 : i32
    %scan3A_24 = arith.constant 0 : i32
    %scan3A_25 = arith.constant 104 : i32
    %scan3A_26 = arith.addi %scan3A_24, %scan3A_25 : i32
    %scan3A_27 = arith.constant 1 : i32
    %scan3A_28 = scf.for %scan3A_37 = %scan3A_24 to %scan3A_26 step %scan3A_27 iter_args(%scan3A_38 = %scan3A_23) -> (i32)  : i32 {
      %dma_wait3A_39 = arith.constant 0 : i32
      %dma_wait3A_40 = arith.constant 0 : i32
      %dma_wait3A_41 = tpu.memref_slice %arg6[%dma_wait3A_39, %dma_wait3A_40] : memref<512x64xf32, #tpu.memory_space<vmem>> -> memref<128x64xf32, #tpu.memory_space<vmem>>
      %dma_wait3A_42 = arith.constant 0 : i32
      %dma_wait3A_43 = arith.constant 0 : i32
      %dma_wait3A_44 = tpu.memref_slice %arg3[%dma_wait3A_42, %dma_wait3A_43] : memref<2600000x64xf32, #tpu.memory_space<hbm>> -> memref<128x64xf32, #tpu.memory_space<hbm>>
      %dma_wait3A_45 = arith.constant 0 : i32
      %dma_wait3A_46 = arith.constant 0 : i32
      %dma_wait3A_47 = tpu.memref_slice %arg6[%dma_wait3A_45, %dma_wait3A_46] : memref<512x64xf32, #tpu.memory_space<vmem>> -> memref<128x64xf32, #tpu.memory_space<vmem>>
      %dma_wait3A_48 = arith.constant 0 : i32
      %dma_wait3A_49 = arith.constant 0 : i32
      %dma_wait3A_50 = tpu.memref_slice %arg3[%dma_wait3A_48, %dma_wait3A_49] : memref<2600000x64xf32, #tpu.memory_space<hbm>> -> memref<128x64xf32, #tpu.memory_space<hbm>>
      tpu.wait_dma2 semaphore(%arg7 : memref<!tpu.dma_semaphore, #tpu.memory_space<semaphore_mem>>) src(%dma_wait3A_50 : memref<128x64xf32, #tpu.memory_space<hbm>>) dst(%dma_wait3A_47 : memref<128x64xf32, #tpu.memory_space<vmem>>)
      %scan3A_51 = arith.constant 0 : i32
      scf.yield %scan3A_51 : i32
    }
    %scan3A_29 = arith.constant 104 : i32
    %iota3A = tpu.iota {dimensions = array<i32: 0>} : vector<16xi32>
    %scan3A_30 = arith.constant 0 : i32
    %scan3A_31 = arith.constant 0 : i32
    %scan3A_32 = arith.constant 512 : i32
    %scan3A_33 = arith.addi %scan3A_31, %scan3A_32 : i32
    %scan3A_34 = arith.constant 1 : i32
    %scan3A_35 = scf.for %scan3A_37 = %scan3A_31 to %scan3A_33 step %scan3A_34 iter_args(%scan3A_38 = %scan3A_30) -> (i32)  : i32 {
      %get3A = arith.index_cast %scan3A_37 : i32 to index
      %get3A_39 = arith.constant 0 : index
      %get3A_40 = tpu.vector_load %arg6[%get3A, %get3A_39] {strides = array<i32>} : memref<512x64xf32, #tpu.memory_space<vmem>>, vector<1x16xf32>,
      %get3A_41 = vector.shape_cast %get3A_40 : vector<1x16xf32> to vector<16xf32>
      %exp3A = math.exp %get3A_41 : vector<16xf32>
      %get3A_42 = arith.index_cast %scan3A_37 : i32 to index
      %get3A_43 = arith.constant 16 : index
      %get3A_44 = tpu.vector_load %arg6[%get3A_42, %get3A_43] {strides = array<i32>} : memref<512x64xf32, #tpu.memory_space<vmem>>, vector<1x16xf32>,
      %get3A_45 = vector.shape_cast %get3A_44 : vector<1x16xf32> to vector<16xf32>
      %exp3A_46 = math.exp %get3A_45 : vector<16xf32>
      %get3A_47 = arith.index_cast %scan3A_37 : i32 to index
      %get3A_48 = arith.constant 32 : index
      %get3A_49 = tpu.vector_load %arg6[%get3A_47, %get3A_48] {strides = array<i32>} : memref<512x64xf32, #tpu.memory_space<vmem>>, vector<1x16xf32>,
      %get3A_50 = vector.shape_cast %get3A_49 : vector<1x16xf32> to vector<16xf32>
      %exp3A_51 = math.exp %get3A_50 : vector<16xf32>
      %get3A_52 = arith.index_cast %scan3A_37 : i32 to index
      %get3A_53 = arith.constant 48 : index
      %get3A_54 = tpu.vector_load %arg6[%get3A_52, %get3A_53] {strides = array<i32>} : memref<512x64xf32, #tpu.memory_space<vmem>>, vector<1x16xf32>,
      %get3A_55 = vector.shape_cast %get3A_54 : vector<1x16xf32> to vector<16xf32>
      %exp3A_56 = math.exp %get3A_55 : vector<16xf32>
      %add3A_57 = arith.addf %exp3A, %exp3A_46 : vector<16xf32>
      %add3A_58 = arith.addf %exp3A_51, %exp3A_56 : vector<16xf32>
      %add3A_59 = arith.addf %add3A_57, %add3A_58 : vector<16xf32>
      %xor3A = arith.constant 8 : i32
      %xor3A_60 = vector.broadcast %xor3A : i32 to vector<16xi32>
      %xor3A_61 = arith.xori %iota3A, %xor3A_60 : vector<16xi32>
      %broadcast_in_dim3A_62 = vector.shape_cast %xor3A_61 : vector<16xi32> to vector<16x1xi32>
      %gather3A = vector.shape_cast %broadcast_in_dim3A_62 : vector<16x1xi32> to vector<16xi32>
      %gather3A_63 = tpu.dynamic_gather %add3A_59[%gather3A] in [0] : vector<16xf32>, vector<16xi32> -> vector<16xf32>
      %add3A_64 = arith.addf %add3A_59, %gather3A_63 : vector<16xf32>
      %xor3A_65 = arith.constant 4 : i32
      %xor3A_66 = vector.broadcast %xor3A_65 : i32 to vector<16xi32>
      %xor3A_67 = arith.xori %iota3A, %xor3A_66 : vector<16xi32>
      %broadcast_in_dim3A_68 = vector.shape_cast %xor3A_67 : vector<16xi32> to vector<16x1xi32>
      %gather3A_69 = vector.shape_cast %broadcast_in_dim3A_68 : vector<16x1xi32> to vector<16xi32>
      %gather3A_70 = tpu.dynamic_gather %add3A_64[%gather3A_69] in [0] : vector<16xf32>, vector<16xi32> -> vector<16xf32>
      %add3A_71 = arith.addf %add3A_64, %gather3A_70 : vector<16xf32>
      %xor3A_72 = arith.constant 2 : i32
      %xor3A_73 = vector.broadcast %xor3A_72 : i32 to vector<16xi32>
      %xor3A_74 = arith.xori %iota3A, %xor3A_73 : vector<16xi32>
      %broadcast_in_dim3A_75 = vector.shape_cast %xor3A_74 : vector<16xi32> to vector<16x1xi32>
      %gather3A_76 = vector.shape_cast %broadcast_in_dim3A_75 : vector<16x1xi32> to vector<16xi32>
      %gather3A_77 = tpu.dynamic_gather %add3A_71[%gather3A_76] in [0] : vector<16xf32>, vector<16xi32> -> vector<16xf32>
      %add3A_78 = arith.addf %add3A_71, %gather3A_77 : vector<16xf32>
      %xor3A_79 = arith.constant 1 : i32
      %xor3A_80 = vector.broadcast %xor3A_79 : i32 to vector<16xi32>
      %xor3A_81 = arith.xori %iota3A, %xor3A_80 : vector<16xi32>
      %broadcast_in_dim3A_82 = vector.shape_cast %xor3A_81 : vector<16xi32> to vector<16x1xi32>
      %gather3A_83 = vector.shape_cast %broadcast_in_dim3A_82 : vector<16x1xi32> to vector<16xi32>
      %gather3A_84 = tpu.dynamic_gather %add3A_78[%gather3A_83] in [0] : vector<16xf32>, vector<16xi32> -> vector<16xf32>
      %add3A_85 = arith.addf %add3A_78, %gather3A_84 : vector<16xf32>
      %div3A = arith.constant 1.000000e+00 : f32
      %div3A_86 = vector.broadcast %div3A : f32 to vector<16xf32>
      %div3A_87 = arith.divf %div3A_86, %add3A_85 : vector<16xf32>
      %mul3A_88 = arith.mulf %exp3A, %div3A_87 : vector<16xf32>
      %swap3A = arith.index_cast %scan3A_37 : i32 to index
      %swap3A_89 = arith.constant 0 : index
      %swap3A_90 = tpu.vector_load %arg6[%swap3A, %swap3A_89] {strides = array<i32>} : memref<512x64xf32, #tpu.memory_space<vmem>>, vector<1x16xf32>,
      %swap3A_91 = vector.shape_cast %swap3A_90 : vector<1x16xf32> to vector<16xf32>
      %swap3A_92 = vector.shape_cast %mul3A_88 : vector<16xf32> to vector<1x16xf32>
      tpu.vector_store %arg6[%swap3A, %swap3A_89], %swap3A_92 {strides = array<i32>} : memref<512x64xf32, #tpu.memory_space<vmem>>, vector<1x16xf32>,
      %mul3A_93 = arith.mulf %exp3A_46, %div3A_87 : vector<16xf32>
      %swap3A_94 = arith.index_cast %scan3A_37 : i32 to index
      %swap3A_95 = arith.constant 16 : index
      %swap3A_96 = tpu.vector_load %arg6[%swap3A_94, %swap3A_95] {strides = array<i32>} : memref<512x64xf32, #tpu.memory_space<vmem>>, vector<1x16xf32>,
      %swap3A_97 = vector.shape_cast %swap3A_96 : vector<1x16xf32> to vector<16xf32>
      %swap3A_98 = vector.shape_cast %mul3A_93 : vector<16xf32> to vector<1x16xf32>
      tpu.vector_store %arg6[%swap3A_94, %swap3A_95], %swap3A_98 {strides = array<i32>} : memref<512x64xf32, #tpu.memory_space<vmem>>, vector<1x16xf32>,
      %mul3A_99 = arith.mulf %exp3A_51, %div3A_87 : vector<16xf32>
      %swap3A_100 = arith.index_cast %scan3A_37 : i32 to index
      %swap3A_101 = arith.constant 32 : index
      %swap3A_102 = tpu.vector_load %arg6[%swap3A_100, %swap3A_101] {strides = array<i32>} : memref<512x64xf32, #tpu.memory_space<vmem>>, vector<1x16xf32>,
      %swap3A_103 = vector.shape_cast %swap3A_102 : vector<1x16xf32> to vector<16xf32>
      %swap3A_104 = vector.shape_cast %mul3A_99 : vector<16xf32> to vector<1x16xf32>
      tpu.vector_store %arg6[%swap3A_100, %swap3A_101], %swap3A_104 {strides = array<i32>} : memref<512x64xf32, #tpu.memory_space<vmem>>, vector<1x16xf32>,
      %mul3A_105 = arith.mulf %exp3A_56, %div3A_87 : vector<16xf32>
      %swap3A_106 = arith.index_cast %scan3A_37 : i32 to index
      %swap3A_107 = arith.constant 48 : index
      %swap3A_108 = tpu.vector_load %arg6[%swap3A_106, %swap3A_107] {strides = array<i32>} : memref<512x64xf32, #tpu.memory_space<vmem>>, vector<1x16xf32>,
      %swap3A_109 = vector.shape_cast %swap3A_108 : vector<1x16xf32> to vector<16xf32>
      %swap3A_110 = vector.shape_cast %mul3A_105 : vector<16xf32> to vector<1x16xf32>
      tpu.vector_store %arg6[%swap3A_106, %swap3A_107], %swap3A_110 {strides = array<i32>} : memref<512x64xf32, #tpu.memory_space<vmem>>, vector<1x16xf32>,
      %scan3A_111 = arith.constant 0 : i32
      scf.yield %scan3A_111 : i32
    }
    %scan3A_36 = arith.constant 512 : i32
    "tpu.region"() ({
      %run_scoped3A = tpu.sem_alloc : memref<!tpu.dma_semaphore, #tpu.memory_space<semaphore_mem>>
      %dma_start3A_37 = arith.constant 0 : i32
      %dma_start3A_38 = tpu.memref_slice %arg4[%mul3A_2, %dma_start3A_37] : memref<16384x64xf32, #tpu.memory_space<hbm>> -> memref<512x64xf32, #tpu.memory_space<hbm>>
      %dma_start3A_39 = arith.constant 0 : i32
      %dma_start3A_40 = tpu.memref_slice %arg4[%mul3A_2, %dma_start3A_39] : memref<16384x64xf32, #tpu.memory_space<hbm>> -> memref<512x64xf32, #tpu.memory_space<hbm>>
      tpu.enqueue_dma source(%arg6 : memref<512x64xf32, #tpu.memory_space<vmem>>) target(%dma_start3A_40 : memref<512x64xf32, #tpu.memory_space<hbm>>) target_semaphore(%run_scoped3A : memref<!tpu.dma_semaphore, #tpu.memory_space<semaphore_mem>>)
      %dma_wait3A_41 = arith.constant 0 : i32
      %dma_wait3A_42 = tpu.memref_slice %arg4[%mul3A_2, %dma_wait3A_41] : memref<16384x64xf32, #tpu.memory_space<hbm>> -> memref<512x64xf32, #tpu.memory_space<hbm>>
      %dma_wait3A_43 = arith.constant 0 : i32
      %dma_wait3A_44 = tpu.memref_slice %arg4[%mul3A_2, %dma_wait3A_43] : memref<16384x64xf32, #tpu.memory_space<hbm>> -> memref<512x64xf32, #tpu.memory_space<hbm>>
      tpu.wait_dma2 semaphore(%run_scoped3A : memref<!tpu.dma_semaphore, #tpu.memory_space<semaphore_mem>>) src(%arg6 : memref<512x64xf32, #tpu.memory_space<vmem>>) dst(%dma_wait3A_44 : memref<512x64xf32, #tpu.memory_space<hbm>>)
      tpu.yield
    }) : () -> ()
    return
  }
}

module attributes {stable_mosaic.version = 14 : i64} {
  func.func @_tc_transpose_body(%arg0: i32, %arg1: memref<2048x26xi32, #tpu.memory_space<vmem>>, %arg2: memref<26x2048xi32, #tpu.memory_space<vmem>>) attributes {dimension_semantics = [#tpu.dimension_semantics<arbitrary>], iteration_bounds = array<i64: 8>, scalar_prefetch = 0 : i64, scratch_operands = 0 : i64, tpu.core_type = #tpu.core_type<tc>, window_params = [{transform_indices = @transform_0, window_bounds = array<i64: 2048, 26>}, {transform_indices = @transform_1, window_bounds = array<i64: 26, 2048>}]} {
    %iota3A = tpu.iota {dimensions = array<i32: 0>} : vector<26x2048xi32>
    %mul3A = arith.constant 100000 : i32
    %mul3A_0 = vector.broadcast %mul3A : i32 to vector<26x2048xi32>
    %mul3A_1 = arith.muli %iota3A, %mul3A_0 : vector<26x2048xi32>
    %get3A = arith.constant 0 : index
    %get3A_2 = arith.constant 0 : index
    %get3A_3 = vector.load %arg1[%get3A, %get3A_2] : memref<2048x26xi32, #tpu.memory_space<vmem>>, vector<2048x26xi32>
    %transpose3A = tpu.transpose %get3A_3, [1, 0] : vector<2048x26xi32> -> vector<26x2048xi32>
    %add3A = arith.addi %transpose3A, %mul3A_1 : vector<26x2048xi32>
    %swap3A = arith.constant 0 : index
    %swap3A_4 = arith.constant 0 : index
    %swap3A_5 = vector.load %arg2[%swap3A, %swap3A_4] : memref<26x2048xi32, #tpu.memory_space<vmem>>, vector<26x2048xi32>
    tpu.vector_store %arg2[%swap3A, %swap3A_4], %add3A {strides = array<i32>} : memref<26x2048xi32, #tpu.memory_space<vmem>>, vector<26x2048xi32>,
    return
  }
  func.func @transform_0(%arg0: i32) -> (i32, i32) {
    %c0_i32 = arith.constant 0 : i32
    %c0_i32_0 = arith.constant 0 : i32
    return %arg0, %c0_i32 : i32, i32
  }
  func.func @transform_1(%arg0: i32) -> (i32, i32) {
    %c0_i32 = arith.constant 0 : i32
    %c0_i32_0 = arith.constant 0 : i32
    return %c0_i32, %arg0 : i32, i32
  }
}

</mosaic_0001>

<sc_bundles>
// kernel: kernel.4.cloned.1.call-start
scs
__scs_entry_jumppad:
0x0: {  	(pc) =	sbr.rel $0x88, $3  }
0x1: {  	(tag) =	ssettag $0x0;
	lr =	simm.s32 $0x1  }
0x2: {  	[smem:$0x3F9F] =	sst lr;
	_ =	strace $0xD0000000  }
0x3: {  	_ = 	snop  }
0x4: {  	_ = 	snop  }
0x5: {  	_ = 	snop  }
0x6: {  	_ = 	snop  }
0x7: {  	_ = 	snop  }
__scs_overlays_trampoline_lowered:
0x8: {  	[smem:$0x3FAE] =	sst s0  }
0x9: {  	[smem:$0x3FAF] =	sst s1  }
0xa: {  	[smem:$0x3FB0] =	sst s2  }
0xb: {  	[smem:$0x3FB1] =	sst s3  }
0xc: {  	[smem:$0x3FB2] =	sst s4  }
0xd: {  	[smem:$0x3FB3] =	sst s5  }
0xe: {  	[smem:$0x3FB4] =	sst s6  }
0xf: {  	[smem:$0x3FB5] =	sst s7  }
0x10: {  	[smem:$0x3FB6] =	sst s8  }
0x11: {  	[smem:$0x3FB7] =	sst s9;
	s0 =	simm.s32 @!p0 $0x0  }
0x12: {  	s1 =	sld [smem:$0x3F9D];
	s0 =	simm.s32 @p0 $0x1  }
0x13: {  	[smem:$0x3FB8] =	sst s0;
	s0 =	simm.s32 @!p1 $0x0  }
0x14: {  	s2 =	sld [smem:$0x3F9C];
	s0 =	simm.s32 @p1 $0x1  }
0x15: {  	[smem:$0x3FB9] =	sst s0;
	s0 =	simm.s32 @!p2 $0x0  }
0x16: {  	s3 =	sld [smem:$0x3FDB];
	s0 =	simm.s32 @p2 $0x1  }
0x17: {  	s4 =	simm.s32 $0x1BF5;
	[smem:$0x3FBB] =	sst s0  }
0x18: {  	s0 =	sld [smem:$0x3F9E];
	_ =	swait.ge [sflag:s4], $0x0  }
0x19: {  	s7 =	sld [smem:$0x3F9F]  }
0x1a: {  	s8 =	sadd.s32 $0xFFFFE003, lr  }
0x1b: {  	s9 =	sadd.s32 $0xFFFFFEF7, lr;
	s5 =	simm.s32 $0xFFFFFFFF;
	p2 =	slt.u32 s8, $0xFFFFF086  }
0x1c: {  	p1 =	slt.u32 s9, $0xF7A;
	s5 =	simm.s32 @!p2 $0x0  }
0x1d: {  	s5 =	simm.s32 @p1 $0x1;
	p0 =	seq.s32 s7, s2  }
0x1e: {  	s7 =	smul.u32 @!p0 $0xF7A, s2;
	p2 =	seq.s32 @!p0 s5, $0x0  }
0x1f: {  	s9 =	smul.u32 $0xF7A, s1;
	s8 =	simm.s32 @!p0 $0x1BF5;
	p2 =	por !p2, p0  }
0x20: {  	[sflag:s8] =	ssyncset.s32 @!p0 $0xFFFFF086;
	s6 =	sadd.s32 @!p0 s3, s7;
	s7 =	simm.s32 @!p0 $0x108  }
0x21: {  	s3 =	sadd.s32 s3, s9;
	s6 =	sadd.s32 @!p0 $0x88, s6;
	s7 =	simm.s32 @p2 $0x1082  }
0x22: {  	[simem:s7], [sflag:s8] =	dma.local @!p0 [hbm:s6], $0xF7A  }
0x23: {  	s9 =	sor.u32 $0xD0000000, s2;
	s6 =	simm.s32 $0x108;
	_ =	swait.ge @!p0 [sflag:s8], $0x0  }
0x24: {  	s3 =	sadd.s32 $0x88, s3;
	s6 =	simm.s32 @!p1 $0x1082;
	[sflag:s4] =	ssyncset.s32 $0xFFFFF086  }
0x25: {  	[simem:s6], [sflag:s4] =	dma.local [hbm:s3], $0xF7A  }
0x26: {  	[smem:$0x3F9F] =	sst s1;
	(tag) =	ssettag s2;
	_ =	strace s9  }
0x27: {  	s1 =	sld [smem:$0x3FAF]  }
0x28: {  	s2 =	sld [smem:$0x3FB0]  }
0x29: {  	s4 =	sld [smem:$0x3FB2]  }
0x2a: {  	p0 =	seq.s32 s5, $0x0;
	s5 =	sld [smem:$0x3FB3]  }
0x2b: {  	s6 =	sld [smem:$0x3FB4]  }
0x2c: {  	s7 =	sld [smem:$0x3FB5]  }
0x2d: {  	s3 =	simm.s32 $0x108;
	s8 =	sld [smem:$0x3FB6]  }
0x2e: {  	s3 =	simm.s32 @!p0 $0x1082;
	s9 =	sld [smem:$0x3FB7]  }
0x2f: {  	lr =	sadd.s32 s0, s3;
	s0 =	sld [smem:$0x3FAE]  }
0x30: {  	s3 =	sld [smem:$0x3FB1]  }
0x31: {  	[smem:$0x3FBA] =	sst s10  }
0x32: {  	s10 =	sld [smem:$0x3FB8];
	_ =	sdelay $0x3  }
0x33: {  	p0 =	seq.s32 s10, $0x1;
	s10 =	sld [smem:$0x3FBA];
	_ =	sdelay $0x3  }
0x34: {  	[smem:$0x3FBA] =	sst s10  }
0x35: {  	s10 =	sld [smem:$0x3FB9];
	_ =	sdelay $0x3  }
0x36: {  	p1 =	seq.s32 s10, $0x1;
	s10 =	sld [smem:$0x3FBA];
	_ =	sdelay $0x3  }
0x37: {  	[smem:$0x3FBA] =	sst s10  }
0x38: {  	s10 =	sld [smem:$0x3FBB]  }
0x39: {  	_ = 	snop;
	(pc) =	sbr.ind lr, $3  }
0x3a: {  	_ = 	snop  }
0x3b: {  	_ = 	snop  }
0x3c: {  	p2 =	seq.s32 s10, $0x1;
	s10 =	sld [smem:$0x3FBA]  }
0x3d: {  	_ =	shalt  }
0x3e: {  	_ =	shalt  }
0x3f: {  	_ =	shalt  }
0x40: {  	_ =	shalt  }
0x41: {  	_ =	shalt  }
0x42: {  	_ =	shalt  }
0x43: {  	_ =	shalt  }
0x44: {  	_ =	shalt  }
0x45: {  	_ =	shalt  }
0x46: {  	_ =	shalt  }
0x47: {  	_ =	shalt  }
0x48: {  	_ =	shalt  }
0x49: {  	_ =	shalt  }
0x4a: {  	_ =	shalt  }
0x4b: {  	_ =	shalt  }
0x4c: {  	_ =	shalt  }
0x4d: {  	_ =	shalt  }
0x4e: {  	_ =	shalt  }
0x4f: {  	_ =	shalt  }
0x50: {  	_ =	shalt  }
0x51: {  	_ =	shalt  }
0x52: {  	_ =	shalt  }
0x53: {  	_ =	shalt  }
0x54: {  	_ =	shalt  }
0x55: {  	_ =	shalt  }
0x56: {  	_ =	shalt  }
0x57: {  	_ =	shalt  }
0x58: {  	_ =	shalt  }
0x59: {  	_ =	shalt  }
0x5a: {  	_ =	shalt  }
0x5b: {  	_ =	shalt  }
0x5c: {  	_ =	shalt  }
0x5d: {  	_ =	shalt  }
0x5e: {  	_ =	shalt  }
0x5f: {  	_ =	shalt  }
0x60: {  	_ =	shalt  }
0x61: {  	_ =	shalt  }
0x62: {  	_ =	shalt  }
0x63: {  	_ =	shalt  }
0x64: {  	_ =	shalt  }
0x65: {  	_ =	shalt  }
0x66: {  	_ =	shalt  }
0x67: {  	_ =	shalt  }
0x68: {  	_ =	shalt  }
0x69: {  	_ =	shalt  }
0x6a: {  	_ =	shalt  }
0x6b: {  	_ =	shalt  }
0x6c: {  	_ =	shalt  }
0x6d: {  	_ =	shalt  }
0x6e: {  	_ =	shalt  }
0x6f: {  	_ =	shalt  }
0x70: {  	_ =	shalt  }
0x71: {  	_ =	shalt  }
0x72: {  	_ =	shalt  }
0x73: {  	_ =	shalt  }
0x74: {  	_ =	shalt  }
0x75: {  	_ =	shalt  }
0x76: {  	_ =	shalt  }
0x77: {  	_ =	shalt  }
0x78: {  	_ =	shalt  }
0x79: {  	_ =	shalt  }
0x7a: {  	_ =	shalt  }
0x7b: {  	_ =	shalt  }
0x7c: {  	_ =	shalt  }
0x7d: {  	_ =	shalt  }
0x7e: {  	_ =	shalt  }
0x7f: {  	_ =	shalt  }
0x80: {  	_ =	shalt  }
0x81: {  	_ =	shalt  }
0x82: {  	_ =	shalt  }
0x83: {  	_ =	shalt  }
0x84: {  	_ =	shalt  }
0x85: {  	_ =	shalt  }
0x86: {  	_ =	shalt  }
0x87: {  	_ =	shalt  }
.Lfunc_end0:
.L_simem_size_0:
called_computation_lowered:
.L_overlay_start_0:
0x88: {  	s2 =	sld [smem:$0x3FD9]  }
0x89: {  	s3 =	sld [smem:$0x3FFE];
	_ =	sdelay $0x1  }
0x8a: {  	s1 =	srdreg.scid  }
0x8b: {  	s0 =	sand.u32 $0x1, s1  }
0x8c: {  	s17 =	sshll.u32 s0, $0xA;
	s2 =	sadd.s32 s3, s2  }
0x8d: {  	s2 =	sadd.s32 s2, s17  }
0x8e: {  	[smem:$0x3FC6] =	sst s2  }
0x8f: {  	_ = 	snop  }
0x90: {  	s2 =	sld [smem:$0x3FD0];
	(tm) =	ssettm $0x1  }
0x91: {  	s18 =	sld [smem:$0x3FFB];
	_ =	sdelay $0x3  }
0x92: {  	_ =	strace s18  }
0x93: {  	s3 =	sld [smem:$0x3FFC];
	_ =	sdelay $0x3  }
0x94: {  	_ =	strace s3  }
0x95: {  	s3 =	sld [smem:$0x3FFD];
	_ =	sdelay $0x3  }
0x96: {  	_ =	strace s3  }
0x97: {  	_ =	strace $0x8FFFFFFF  }
0x98: {  	s19 =	sld [smem:$0x3FDB];
	_ =	sdelay $0x1  }
0x99: {  	s4 =	simm.s32 $_scs_section_size  }
0x9a: {  	s5 =	simm.s32 $_size__tile_overlayer_lowered;
	s6 =	simm.s32 $_tile_overlayer_lowered  }
0x9b: {  	s22 =	simm.s32 $0x1BFF;
	s21 =	sshll.u32 s6, $0x1;
	s3 =	sadd.s32 s4, s19  }
0x9c: {  	s7 =	simm.s32 $0x0;
	s20 =	sshll.u32 s5, $0x1;
	s5 =	sadd.s32 s21, s3  }
0x9d: {  	[timem:s7], [sflag:s22] =	dma.local [hbm:s5], s20  }
0x9e: {  	_ =	swait.ge [sflag:s22], s20  }
0x9f: {  	s4 =	ssub.s32 $0x0, s20;
	[sflag:s22] =	ssyncset.done $0x0  }
0xa0: {  	[sflag:s22] =	ssyncadd.s32 s4;
	_ =	sdelay $0x1  }
0xa1: {  	s23 =	simm.s32 $0x1B8B  }
0xa2: {  	_ =	swait.ge [sflag:s23], $0x1  }
0xa3: {  	[sflag:s23] =	ssyncset.done $0x0  }
0xa4: {  	s25 =	simm.s32 $0x1B8E;
	s24 =	sld [smem:$0x3FFE];
	[sflag:s23] =	ssyncadd.s32 $0xFFFFFFFF  }
0xa5: {  	s26 =	simm.s32 $execute0_lowered;
	[smem:$0x3FD2] =	sst s25  }
0xa6: {  	s5 =	sshll.u32 s26, $0x1;
	_ =	strace $0x80000046;
	[dreg:$0x1] =	wrdreg $0xFFFFFFFF  }
0xa7: {  	s28 =	simm.s32 $_size_execute0_lowered;
	s3 =	sadd.s32 s3, s5;
	[dreg:$0x0] =	wrdreg $0x0  }
0xa8: {  	s5 =	sshll.u32 s28, $0x1;
	[dreg:$0x2] =	wrdreg s3  }
0xa9: {  	[dreg:$0x3] =	wrdreg s5  }
0xaa: {  	[dreg:$0x4] =	wrdreg $0xC0  }
0xab: {  	_ =	task [dreg:s7], $0x5FFFF  }
0xac: {  	[dreg:$0x1] =	wrdreg $0xFFFFFFFF  }
0xad: {  	[dreg:$0x0] =	wrdreg $0x60  }
0xae: {  	[dreg:$0x2] =	wrdreg s24  }
0xaf: {  	[dreg:$0x3] =	wrdreg s2  }
0xb0: {  	[dreg:$0x4] =	wrdreg $0x9  }
0xb1: {  	_ =	task.clear_ibuf [dreg:s7], $0x5FFFF;
	_ =	strace $0x90000046  }
0xb2: {  	s29 =	simm.s32 $0x9;
	_ =	strace $0x80000048  }
0xb3: {  	_ =	swait.ge [sflag:s29], $0x1  }
0xb4: {  	[sflag:s29] =	ssyncadd.s32 $0xFFFFFFFF  }
0xb5: {  	_ =	strace $0x90000048  }
0xb6: {  	_ =	sfence  }
0xb7: {  	s30 =	sld [smem:$0x0];
	_ =	sdelay $0x2  }
0xb8: {  	s31 =	sshll.u32 s1, $0xD;
	s1 =	sshrl.u32 s1, $0x2  }
0xb9: {  	s3 =	sand.u32 $0x4000, s31;
	s1 =	sadd.s32 s1, s30  }
0xba: {  	s0 =	sor.u32 s3, s0;
	s1 =	sshll.u32 s1, $0x11  }
0xbb: {  	s0 =	sor.u32 s1, s0  }
0xbc: {  	s0 =	sadd.s32 $0x8F2B, s0  }
0xbd: {  	[sflag:s0] =	ssyncadd.remote.s32 $0x1  }
0xbe: {  	_ =	sfence.sel $0xFFFF  }
0xbf: {  	[dreg:$0x0] =	wrdreg $0xFFFFFFFF;
	(pc) =	sbr.abs _section_cstart, $3  }
0xc0: {  	[dreg:$0x1] =	wrdreg $0xFFFFFFFF  }
0xc1: {  	_ =	task.clear_ibuf [dreg:s7], $0x2FFFF;
	_ =	strace $0x9FFFFFFF  }
0xc2: {  	(tm) =	ssettm $0x7FFFFFFF  }
0xc3: {  	_ =	shalt  }
tec
execute0_lowered:
.L_overlay_start_1:
0x0: {  	(tag) =	ssettag $0x1  }
0x1: {  	s4 =	rddreg [dreg:$0x0]  }
0x2: {  	v0 =	vimm.s32 $0xFEDCBA98;
	s5 =	rddreg [dreg:$0x1]  }
0x3: {  	v1 =	vimm.s32 $0x76543210;
	s0 =	rddreg [dreg:$0x2];
	s1 =	simm.s32 $0x0;
	s3 =	srdreg.scid;
	v2 =	vimm.s32 $0xBA98FEDC;
	v3 =	vimm.s32 $0x32107654  }
0x4: {  	s2 =	stileid.u32;
	v4 =	vimm.s32 $0xDCFE98BA;
	v5 =	vimm.s32 $0x54761032;
	v6 =	vimm.s32 $0xEFCDAB89;
	s9 =	simm.s32 $0x1;
	s10 =	simm.s32 $0x80  }
0x5: {  	v7 =	vimm.s32 $0x67452301;
	s11 =	simm.s32 $0x3400;
	s12 =	simm.s32 $0x5400;
	s13 =	simm.s32 $0x7400;
	v0 =	vunpack.c.l.s4.s8 v0;
	v1 =	vunpack.c.l.s4.s8 v1  }
0x6: {  	s14 =	simm.s32 $0x9400;
	s15 =	simm.s32 $0x2;
	s16 =	simm.s32 $0x0;
	v2 =	vunpack.c.l.s4.s8 v2;
	v3 =	vunpack.c.l.s4.s8 v3;
	v4 =	vunpack.c.l.s4.s8 v4  }
0x7: {  	[smem:$0x7FF] =	sst s1;
	s6 =	sand.u32 $0x1, s3;
	s30 =	sshll.u32 s2, $0xA;
	v5 =	vunpack.c.l.s4.s8 v5;
	v6 =	vunpack.c.l.s4.s8 v6;
	v7 =	vunpack.c.l.s4.s8 v7  }
0x8: {  	s3 =	sadd.s32 $0x27ACA00, s4;
	s7 =	sshll.u32 s6, $0x9;
	s6 =	ssub.s32 $0x2, s6;
	v0 =	vunpack.c.0.s8.s32 v0;
	v1 =	vunpack.c.0.s8.s32 v1;
	v2 =	vunpack.c.0.s8.s32 v2  }
0x9: {  	_ =	strace $0x80000047;
	s7 =	sor.u32 s7, s30;
	s31 =	sshrl.u32 s6, $0x1;
	v3 =	vunpack.c.0.s8.s32 v3;
	v4 =	vunpack.c.0.s8.s32 v4;
	v5 =	vunpack.c.0.s8.s32 v5  }
0xa: {  	v6 =	vunpack.c.0.s8.s32 v6;
	v7 =	vunpack.c.0.s8.s32 v7;
	s8 =	sshrl.u32 s7, $0x3;
	s6 =	ssub.s32 s6, s31;
	s7 =	sshll.u32 s7, $0x3;
	v0 =	vand.u32 $0xF, v0  }
0xb: {  	s4 =	sadd.s32 s8, s4;
	s5 =	sadd.s32 s5, s7;
	s6 =	smax.u32 s6, $0x1;
	v0 =	vcombine.low v0, v1;
	v1 =	vcombine.low v3, v2  }
0xc: {  	s7 =	simm.s32 $0x200;
	s8 =	simm.s32 $0x4000;
	s4 =	sadd.s32 $0x600, s4;
	v2 =	vcombine.low v5, v4;
	v3 =	vimm.f32 $0.0e+00;
	v4 =	vcombine.low v7, v6  }
.LBB2_1:
0xd: {  	[tilespmem:s1], [sflag:$0x1] =	stream.strided.gather [hbm4b:s4+s7], $0x3400, s8, s7, $0x38;
	[tilespmem:$0xB400] =	vst v63  }
0xe: {  	s17 =	sand.u32 $0x1FF00, s1  }
0xf: {  	s18 =	sand.u32 $0x30, s1;
	s19 =	sshrl.u32 s17, $0x2  }
0x10: {  	s17 =	simm.s32 $0x40;
	s19 =	sor.u32 s18, s19;
	s18 =	simm.s32 $0x0  }
.LBB2_2:
0x11: {  	p0 =	sne.s32 s17, $0x1FFC0  }
0x12: {  	[tilespmem:s19+$0x3400] =	vst v3;
	s18 =	sadd.s32 $0x10, s18;
	s19 =	smov.u32 s17;
	s17 =	sadd.s32 $0x40, s17  }
.Ltmp0:
0x13: {  	(pc) =	sbr.rel @p0 .LBB2_2-.Ltmp0, $4  }
0x14: {  	_ = 	snop  }
0x15: {  	s19 =	sand.u32 $0x1FF00, s19  }
0x16: {  	s20 =	sand.u32 $0x30, s18;
	s19 =	sshrl.u32 s19, $0x2  }
0x17: {  	s19 =	sor.u32 s20, s19  }
0x18: {  	[tilespmem:s19+$0x3400] =	vst v3  }
0x19: {  	_ =	swait.ge [sflag:s9], $0x3400  }
0x1a: {  	[sflag:s9] =	ssyncset.done $0x0  }
0x1b: {  	s17 =	simm.s32 $0x0;
	[sflag:s9] =	ssyncadd.s32 $0xFFFFCC00  }
0x1c: {  	[tilespmem:s11], [sflag:$0x1] =	stream.indirect.gather.add.f32 [hbm:s3], $0x40, s17, s10, $0xb8;
	[tilespmem:$0xB400] =	vst v63  }
0x1d: {  	s30 =	simm.s32 $0x80  }
0x1e: {  	[tilespmem:s12], [sflag:$0x1] =	stream.indirect.gather.add.f32 [hbm:s3], $0x40, s30, s10, $0xb8;
	[tilespmem:$0xB400] =	vst v63  }
0x1f: {  	s31 =	simm.s32 $0x100;
	s18 =	simm.s32 $0x180;
	s17 =	simm.s32 $0x800  }
0x20: {  	[tilespmem:s13], [sflag:$0x1] =	stream.indirect.gather.add.f32 [hbm:s3], $0x40, s31, s10, $0xb8;
	[tilespmem:$0xB400] =	vst v63  }
.LBB2_4:
0x21: {  	[tilespmem:s14], [sflag:$0x1] =	stream.indirect.gather.add.f32 [hbm:s3], $0x40, s18, s10, $0xb8;
	[tilespmem:$0xB400] =	vst v63  }
0x22: {  	s18 =	sshra.s32 s17, $0x2;
	p0 =	sne.s32 s17, $0xC800;
	s17 =	sadd.s32 $0x800, s17  }
0x23: {  	[tilespmem:s11], [sflag:$0x1] =	stream.indirect.gather.add.f32 [hbm:s3], $0x40, s18, s10, $0xb8;
	[tilespmem:$0xB400] =	vst v63  }
.Ltmp1:
0x24: {  	s19 =	sadd.s32 $0x80, s18;
	(pc) =	sbr.rel @p0 .LBB2_4-.Ltmp1, $4  }
0x25: {  	[tilespmem:s12], [sflag:$0x1] =	stream.indirect.gather.add.f32 [hbm:s3], $0x40, s19, s10, $0xb8;
	[tilespmem:$0xB400] =	vst v63  }
0x26: {  	s19 =	sadd.s32 $0x100, s18  }
0x27: {  	[tilespmem:s13], [sflag:$0x1] =	stream.indirect.gather.add.f32 [hbm:s3], $0x40, s19, s10, $0xb8;
	[tilespmem:$0xB400] =	vst v63  }
0x28: {  	s18 =	sadd.s32 $0x180, s18  }
0x29: {  	[tilespmem:s14], [sflag:$0x1] =	stream.indirect.gather.add.f32 [hbm:s3], $0x40, s18, s10, $0xb8;
	[tilespmem:$0xB400] =	vst v63  }
0x2a: {  	s17 =	simm.s32 $0x68  }
.LBB2_6:
0x2b: {  	p0 =	sne.s32 s17, $0x1  }
.Ltmp2:
0x2c: {  	_ = 	snop;
	(pc) =	sbr.rel @p0 .LBB2_6-.Ltmp2, $4  }
0x2d: {  	_ = 	snop  }
0x2e: {  	_ =	swait.ge [sflag:s9], $0x2000  }
0x2f: {  	[sflag:s9] =	ssyncset.done $0x0  }
0x30: {  	s17 =	sadd.s32 $0xFFFFFFFF, s17;
	[sflag:s9] =	ssyncadd.s32 $0xFFFFE000  }
0x31: {  	s17 =	simm.s32 $0x0  }
0x32: {  	v5 =	vld [tilespmem:s17+$0x3400]  }
0x33: {  	v6 =	vld [tilespmem:s17+$0x3430]  }
0x34: {  	v7 =	vld [tilespmem:s17+$0x3410]  }
0x35: {  	v8 =	vld [tilespmem:s17+$0x3420];
	_ =	sdelay $0x1  }
0x36: {  	v5 =	vmul.f32 $1.442695020e+00, v5  }
0x37: {  	v6 =	vmul.f32 $1.442695020e+00, v6  }
0x38: {  	v7 =	vmul.f32 $1.442695020e+00, v7;
	(erf) = vpow2.f32 v5  }
0x39: {  	v5 =	vmul.f32 $1.442695020e+00, v8;
	(erf) = vpow2.f32 v6  }
0x3a: {  	(erf) = vpow2.f32 v7  }
0x3b: {  	(erf) = vpow2.f32 v5;
	_ =	sdelay $0x5  }
0x3c: {  	v5 =	vpop (erf)  }
0x3d: {  	v6 =	vpop (erf)  }
0x3e: {  	v7 =	vpop (erf)  }
0x3f: {  	v8 =	vpop (erf)  }
0x40: {  	v9 =	vadd.f32 v7, v5;
	v10 =	vadd.f32 v6, v8;
	_ =	sdelay $0x1  }
0x41: {  	v9 =	vadd.f32 v10, v9;
	_ =	sdelay $0x1  }
0x42: {  	v10 =	vperm.xlane v9, v0;
	_ =	sdelay $0x1  }
0x43: {  	v9 =	vadd.f32 v9, v10;
	_ =	sdelay $0x1  }
0x44: {  	v10 =	vperm.xlane v9, v1;
	_ =	sdelay $0x1  }
0x45: {  	v9 =	vadd.f32 v9, v10;
	_ =	sdelay $0x1  }
0x46: {  	v10 =	vperm.xlane v9, v2;
	_ =	sdelay $0x1  }
0x47: {  	v9 =	vadd.f32 v9, v10;
	_ =	sdelay $0x1  }
0x48: {  	v10 =	vperm.xlane v9, v4;
	_ =	sdelay $0x1  }
0x49: {  	s18 =	simm.s32 $0x100;
	v9 =	vadd.f32 v9, v10  }
.LBB2_8:
0x4a: {  	p0 =	sne.s32 s18, $0x1FF00;
	s19 =	smov.u32 s18;
	s18 =	sadd.s32 $0x100, s18  }
0x4b: {  	(erf) = vrcp.f32 v9;
	_ =	sdelay $0x1  }
0x4c: {  	s19 =	sshra.s32 s19, $0x2;
	_ =	sdelay $0x6  }
0x4d: {  	v9 =	vpop (erf)  }
0x4e: {  	v5 =	vmul.f32 v9, v5;
	v6 =	vmul.f32 v9, v6  }
0x4f: {  	v7 =	vmul.f32 v9, v7;
	v8 =	vmul.f32 v9, v8  }
0x50: {  	[tilespmem:s17+$0x3400] =	vst v5  }
0x51: {  	v5 =	vld [tilespmem:s19+$0x3400];
	[tilespmem:s17+$0x3430] =	vst v6  }
0x52: {  	v6 =	vld [tilespmem:s19+$0x3430];
	[tilespmem:s17+$0x3410] =	vst v7  }
0x53: {  	v7 =	vld [tilespmem:s19+$0x3410];
	[tilespmem:s17+$0x3420] =	vst v8;
	s17 =	smov.u32 s19  }
0x54: {  	v8 =	vld [tilespmem:s17+$0x3420];
	_ =	sdelay $0x1  }
0x55: {  	v5 =	vmul.f32 $1.442695020e+00, v5  }
0x56: {  	v6 =	vmul.f32 $1.442695020e+00, v6  }
0x57: {  	v7 =	vmul.f32 $1.442695020e+00, v7;
	(erf) = vpow2.f32 v5  }
0x58: {  	v5 =	vmul.f32 $1.442695020e+00, v8;
	(erf) = vpow2.f32 v6  }
0x59: {  	(erf) = vpow2.f32 v7  }
0x5a: {  	(erf) = vpow2.f32 v5;
	_ =	sdelay $0x5  }
0x5b: {  	v5 =	vpop (erf)  }
0x5c: {  	v6 =	vpop (erf)  }
0x5d: {  	v7 =	vpop (erf)  }
0x5e: {  	v8 =	vpop (erf)  }
0x5f: {  	v9 =	vadd.f32 v7, v5;
	v10 =	vadd.f32 v6, v8;
	_ =	sdelay $0x1  }
0x60: {  	v9 =	vadd.f32 v10, v9;
	_ =	sdelay $0x1  }
0x61: {  	v10 =	vperm.xlane v9, v0;
	_ =	sdelay $0x1  }
0x62: {  	v9 =	vadd.f32 v9, v10;
	_ =	sdelay $0x1  }
0x63: {  	v10 =	vperm.xlane v9, v1;
	_ =	sdelay $0x1  }
0x64: {  	v9 =	vadd.f32 v9, v10;
	_ =	sdelay $0x1  }
0x65: {  	v10 =	vperm.xlane v9, v2;
	_ =	sdelay $0x1  }
.Ltmp3:
0x66: {  	v9 =	vadd.f32 v9, v10;
	(pc) =	sbr.rel @p0 .LBB2_8-.Ltmp3, $3  }
0x67: {  	_ = 	snop  }
0x68: {  	v10 =	vperm.xlane v9, v4;
	_ =	sdelay $0x1  }
0x69: {  	v9 =	vadd.f32 v9, v10  }
0x6a: {  	_ = 	snop  }
0x6b: {  	(erf) = vrcp.f32 v9;
	_ =	sdelay $0x8  }
0x6c: {  	v9 =	vpop (erf)  }
0x6d: {  	v5 =	vmul.f32 v9, v5  }
0x6e: {  	v6 =	vmul.f32 v9, v6  }
0x6f: {  	v7 =	vmul.f32 v9, v7;
	[tilespmem:s17+$0x3400] =	vst v5  }
0x70: {  	s16 =	sadd.s32 $0x1, s16;
	v5 =	vmul.f32 v9, v8;
	[tilespmem:s17+$0x3430] =	vst v6  }
0x71: {  	p0 =	sne.s32 s16, s6;
	[tilespmem:s17+$0x3410] =	vst v7  }
.Ltmp4:
0x72: {  	[tilespmem:s17+$0x3420] =	vst v5;
	(pc) =	sbr.rel @p0 .LBB2_1-.Ltmp4, $4  }
0x73: {  	[hbm4b:s5+s1] =	stream.linear.scatter [tilespmem:s11], [sflag:$0x2], $0x8000, $0x38;
	[tilespmem:$0xB400] =	vst v63  }
0x74: {  	_ =	swait.ge [sflag:s15], $0x8000  }
0x75: {  	[sflag:s15] =	ssyncset.done $0x0  }
0x76: {  	[sflag:s15] =	ssyncadd.s32 $0xFFFF8000  }
0x77: {  	_ =	sfence.sel $0x180000  }
0x78: {  	[bflag:$0x0] =	sbarrier.arrive $0xFFFF  }
0x79: {  	p0 =	sne.s32 s2, $0x0;
	_ =	strace $0x90000047  }
0x7a: {  	s0 =	sadd.s32 @!p0 $0x100000, s0;
	[bflag:$0x2] =	sbarrier.arrive $0xFFFF  }
0x7b: {  	[sflag:s0] =	ssyncadd.tile.s32 @!p0 $0x1;
	_ =	shalt  }
.Lfunc_end2:
_tile_overlayer_lowered:
.L_overlay_start_2:
0x7c: {  	(tag) =	ssettag $0x2  }
0x7d: {  	s0 =	rddreg [dreg:$0x0];
	s2 =	stileid.u32  }
0x7e: {  	s1 =	rddreg [dreg:$0x1];
	p0 =	sne.s32 s2, $0x0  }
0x7f: {  	s3 =	rddreg [dreg:$0x2];
	[bflag:$0x3] =	sbarrier.arrive $0xFFFF;
	s2 =	simm.s32 @!p0 $0x1C02  }
0x80: {  	[timem:s3], [sflag:s2] =	dma.local @!p0 [hbm:s0], s1  }
0x81: {  	s0 =	simm.s32 @!p0 $0x2  }
0x82: {  	_ =	swait.ge @!p0 [sflag:s0], s1  }
0x83: {  	s1 =	ssub.s32 @!p0 $0x0, s1;
	[sflag:s0] =	ssyncset.done @!p0 $0x0  }
0x84: {  	[sflag:s0] =	ssyncadd.s32 @!p0 s1  }
0x85: {  	[bflag:$0x3] =	sbarrier.arrive $0xFFFF  }
0x86: {  	_ =	shalt  }

</sc_bundles>
